<compile_context>
chip_gen: v7x
topology: tpu7x:2x2x1
jax: 0.10.2.dev20260603
libtpu: 0.0.44.dev20260713+nightly
codegen_flags: <defaults>
</compile_context>

<pallas_src>
import functools

import jax
import jax.numpy as jnp
from jax import lax
from jax.experimental import pallas as pl
from jax.experimental.pallas import tpu as pltpu
from jax.experimental.pallas import tpu_sc as plsc

_BATCH = 128
_TBL = 1001
_L = 16
_NGROUPS = _BATCH // _L

_mesh = plsc.VectorSubcoreMesh(
    core_axis_name="c", subcore_axis_name="s", num_cores=1)


@functools.partial(
    pl.kernel,
    out_type=jax.ShapeDtypeStruct((_BATCH,), jnp.float32),
    mesh=_mesh,
    compiler_params=pltpu.CompilerParams(needs_layout_passes=False),
    scratch_types=[
        pltpu.VMEM((_L,), jnp.int32),
        pltpu.VMEM((_TBL,), jnp.float32),
        pltpu.VMEM((_TBL,), jnp.float32),
        pltpu.VMEM((_L,), jnp.float32),
        pltpu.VMEM((_L,), jnp.float32),
        pltpu.SemaphoreType.DMA,
    ],
)
def _sigmas_sc(t_hbm, flex_hbm, sf_hbm, si_hbm, out_hbm,
               idx_v, sf_v, si_v, flex_v, res_v, sem):
    sid = lax.axis_index("s")

    @pl.when(sid < _NGROUPS)
    def _():
        base = sid * _L
        c1 = pltpu.async_copy(t_hbm.at[pl.ds(base, _L)], idx_v, sem)
        c2 = pltpu.async_copy(flex_hbm, flex_v.at[pl.ds(0, 1)], sem)
        c3 = pltpu.async_copy(sf_hbm, sf_v, sem)
        c4 = pltpu.async_copy(si_hbm, si_v, sem)
        c1.wait()
        c2.wait()
        c3.wait()
        c4.wait()
        idx = idx_v[...]
        sf = plsc.load_gather(sf_v, [idx])
        si = plsc.load_gather(si_v, [idx])
        fl = flex_v[...][0]
        res_v[...] = sf * fl + si * (1.0 - fl)
        pltpu.sync_copy(res_v, out_hbm.at[pl.ds(base, _L)])


@jax.jit
def kernel(t, flexibility, sigmas_flex, sigmas_inflex):
    return _sigmas_sc(t.astype(jnp.int32), flexibility,
                      sigmas_flex, sigmas_inflex)

# --- scband reference (transcript-rebuilt; emitter-appended) ---
"""Pipeline reference for scband-variance-schedule-18330920419837 (READ-ONLY COPY).

The authoritative reference and input builder live on the scoring server;
editing this copy changes nothing except your own understanding.
"""

import jax, jax.numpy as jnp
import numpy as np

NUM_STEPS = 1000
BETA_START = 1e-4
BETA_END = 0.02
BATCH = 128


def _make_schedule(num_steps=NUM_STEPS, beta_start=BETA_START, beta_end=BETA_END):
    # linear mode, matching torch.linspace(beta_start, beta_end, num_steps)
    betas = np.linspace(beta_start, beta_end, num_steps, dtype=np.float64)
    betas = np.concatenate([np.zeros(1, dtype=np.float64), betas], axis=0)
    alphas = 1.0 - betas
    log_alphas = np.cumsum(np.log(alphas))
    alpha_bars = np.exp(log_alphas)
    sigmas_flex = np.sqrt(betas)
    sigmas_inflex = np.zeros_like(sigmas_flex)
    sigmas_inflex[1:] = (1.0 - alpha_bars[:-1]) / (1.0 - alpha_bars[1:]) * betas[1:]
    sigmas_inflex = np.sqrt(sigmas_inflex)
    return sigmas_flex.astype(np.float32), sigmas_inflex.astype(np.float32)


def setup_inputs(seed: int = 0) -> dict:
    key = jax.random.key(seed)
    k1, k2 = jax.random.split(key)
    t = jax.random.randint(k1, (BATCH,), 0, NUM_STEPS + 1).astype(jnp.int64)
    flexibility = jax.random.uniform(k2, (1,), dtype=jnp.float32)
    sf, si = _make_schedule()
    return {
        "t": t,
        "flexibility": flexibility,
        "sigmas_flex": jnp.asarray(sf),
        "sigmas_inflex": jnp.asarray(si),
    }


def reference(t, flexibility, sigmas_flex, sigmas_inflex):
    # VarianceSchedule.get_sigmas: sigma = sigmas_flex[t]*flex + sigmas_inflex[t]*(1-flex)
    sig_f = jnp.take(sigmas_flex, t, axis=0)
    sig_i = jnp.take(sigmas_inflex, t, axis=0)
    sigmas = sig_f * flexibility + sig_i * (1.0 - flexibility)
    return sigmas

if __name__ == "__main__":
    import jax
    _d = setup_inputs()
    print(jax.jit(kernel)(*tuple(_d.values())))

</pallas_src>

<mosaic_0001>
#map = affine_map<(d0, d1) -> (0)>
module attributes {stable_mosaic.version = 14 : i64} {
  func.func @_sigmas_sc(%arg0: i32, %arg1: i32, %arg2: memref<128xi32, #tpu.memory_space<hbm>>, %arg3: memref<1xf32, #tpu.memory_space<hbm>>, %arg4: memref<1001xf32, #tpu.memory_space<hbm>>, %arg5: memref<1001xf32, #tpu.memory_space<hbm>>, %arg6: memref<128xf32, #tpu.memory_space<hbm>>, %arg7: memref<16xi32, #tpu.memory_space<vmem>>, %arg8: memref<1001xf32, #tpu.memory_space<vmem>>, %arg9: memref<1001xf32, #tpu.memory_space<vmem>>, %arg10: memref<16xf32, #tpu.memory_space<vmem>>, %arg11: memref<16xf32, #tpu.memory_space<vmem>>, %arg12: memref<!tpu.dma_semaphore, #tpu.memory_space<semaphore_mem>>) attributes {dimension_semantics = [#tpu.dimension_semantics<core_parallel>, #tpu.dimension_semantics<subcore_parallel>], iteration_bounds = array<i64: 1, 16>, scalar_prefetch = 0 : i64, scratch_operands = 6 : i64, tpu.core_type = #tpu.core_type<sc_vector_subcore>, window_params = [{transform_indices = #map}, {transform_indices = #map}, {transform_indices = #map}, {transform_indices = #map}, {transform_indices = #map}]} {
    %lt3A = arith.constant 8 : i32
    %lt3A_0 = arith.cmpi slt, %arg1, %lt3A : i32
    %convert_element_type3A = arith.extui %lt3A_0 : i1 to i32
    %cond3A = arith.constant 0 : i32
    %cond3A_1 = arith.cmpi ne, %convert_element_type3A, %cond3A : i32
    scf.if %cond3A_1 {
      %mul3A = arith.constant 16 : i32
      %mul3A_2 = arith.muli %arg1, %mul3A : i32
      %dma_start3A = tpu.memref_slice %arg2[%mul3A_2] : memref<128xi32, #tpu.memory_space<hbm>> -> memref<16xi32, #tpu.memory_space<hbm>>
      %dma_start3A_3 = tpu.memref_slice %arg2[%mul3A_2] : memref<128xi32, #tpu.memory_space<hbm>> -> memref<16xi32, #tpu.memory_space<hbm>>
      tpu.enqueue_dma source(%dma_start3A_3 : memref<16xi32, #tpu.memory_space<hbm>>) target(%arg7 : memref<16xi32, #tpu.memory_space<vmem>>) target_semaphore(%arg12 : memref<!tpu.dma_semaphore, #tpu.memory_space<semaphore_mem>>)
      %dma_start3A_4 = arith.constant 0 : i32
      %dma_start3A_5 = tpu.memref_slice %arg10[%dma_start3A_4] : memref<16xf32, #tpu.memory_space<vmem>> -> memref<1xf32, #tpu.memory_space<vmem>>
      %dma_start3A_6 = arith.constant 0 : i32
      %dma_start3A_7 = tpu.memref_slice %arg10[%dma_start3A_6] : memref<16xf32, #tpu.memory_space<vmem>> -> memref<1xf32, #tpu.memory_space<vmem>>
      tpu.enqueue_dma source(%arg3 : memref<1xf32, #tpu.memory_space<hbm>>) target(%dma_start3A_7 : memref<1xf32, #tpu.memory_space<vmem>>) target_semaphore(%arg12 : memref<!tpu.dma_semaphore, #tpu.memory_space<semaphore_mem>>)
      tpu.enqueue_dma source(%arg4 : memref<1001xf32, #tpu.memory_space<hbm>>) target(%arg8 : memref<1001xf32, #tpu.memory_space<vmem>>) target_semaphore(%arg12 : memref<!tpu.dma_semaphore, #tpu.memory_space<semaphore_mem>>)
      tpu.enqueue_dma source(%arg5 : memref<1001xf32, #tpu.memory_space<hbm>>) target(%arg9 : memref<1001xf32, #tpu.memory_space<vmem>>) target_semaphore(%arg12 : memref<!tpu.dma_semaphore, #tpu.memory_space<semaphore_mem>>)
      %dma_wait3A = tpu.memref_slice %arg2[%mul3A_2] : memref<128xi32, #tpu.memory_space<hbm>> -> memref<16xi32, #tpu.memory_space<hbm>>
      %dma_wait3A_8 = tpu.memref_slice %arg2[%mul3A_2] : memref<128xi32, #tpu.memory_space<hbm>> -> memref<16xi32, #tpu.memory_space<hbm>>
      tpu.wait_dma2 semaphore(%arg12 : memref<!tpu.dma_semaphore, #tpu.memory_space<semaphore_mem>>) src(%dma_wait3A_8 : memref<16xi32, #tpu.memory_space<hbm>>) dst(%arg7 : memref<16xi32, #tpu.memory_space<vmem>>)
      %dma_wait3A_9 = arith.constant 0 : i32
      %dma_wait3A_10 = tpu.memref_slice %arg10[%dma_wait3A_9] : memref<16xf32, #tpu.memory_space<vmem>> -> memref<1xf32, #tpu.memory_space<vmem>>
      %dma_wait3A_11 = arith.constant 0 : i32
      %dma_wait3A_12 = tpu.memref_slice %arg10[%dma_wait3A_11] : memref<16xf32, #tpu.memory_space<vmem>> -> memref<1xf32, #tpu.memory_space<vmem>>
      tpu.wait_dma2 semaphore(%arg12 : memref<!tpu.dma_semaphore, #tpu.memory_space<semaphore_mem>>) src(%arg3 : memref<1xf32, #tpu.memory_space<hbm>>) dst(%dma_wait3A_12 : memref<1xf32, #tpu.memory_space<vmem>>)
      tpu.wait_dma2 semaphore(%arg12 : memref<!tpu.dma_semaphore, #tpu.memory_space<semaphore_mem>>) src(%arg4 : memref<1001xf32, #tpu.memory_space<hbm>>) dst(%arg8 : memref<1001xf32, #tpu.memory_space<vmem>>)
      tpu.wait_dma2 semaphore(%arg12 : memref<!tpu.dma_semaphore, #tpu.memory_space<semaphore_mem>>) src(%arg5 : memref<1001xf32, #tpu.memory_space<hbm>>) dst(%arg9 : memref<1001xf32, #tpu.memory_space<vmem>>)
      %get3A = arith.constant 0 : index
      %get3A_13 = tpu.vector_load %arg7[%get3A] {strides = array<i32>} : memref<16xi32, #tpu.memory_space<vmem>>, vector<16xi32>,
      %gather3A = tpu.vector_load_idx %arg8[%get3A_13] : memref<1001xf32, #tpu.memory_space<vmem>>[vector<16xi32>], vector<16xf32>,
      %gather3A_14 = tpu.vector_load_idx %arg9[%get3A_13] : memref<1001xf32, #tpu.memory_space<vmem>>[vector<16xi32>], vector<16xf32>,
      %get3A_15 = arith.constant 0 : index
      %get3A_16 = tpu.vector_load %arg10[%get3A_15] {strides = array<i32>} : memref<16xf32, #tpu.memory_space<vmem>>, vector<16xf32>,
      %slice3A = vector.extract_strided_slice %get3A_16 {offsets = [0], sizes = [1], strides = [1]} : vector<16xf32> to vector<1xf32>
      %squeeze3A = vector.extract %slice3A[0] : f32 from vector<1xf32>
      %mul3A_17 = vector.broadcast %squeeze3A : f32 to vector<16xf32>
      %mul3A_18 = arith.mulf %gather3A, %mul3A_17 : vector<16xf32>
      %sub3A = arith.constant 1.000000e+00 : f32
      %sub3A_19 = arith.subf %sub3A, %squeeze3A : f32
      %mul3A_20 = vector.broadcast %sub3A_19 : f32 to vector<16xf32>
      %mul3A_21 = arith.mulf %gather3A_14, %mul3A_20 : vector<16xf32>
      %add3A = arith.addf %mul3A_18, %mul3A_21 : vector<16xf32>
      %swap3A = arith.constant 0 : index
      %swap3A_22 = tpu.vector_load %arg11[%swap3A] {strides = array<i32>} : memref<16xf32, #tpu.memory_space<vmem>>, vector<16xf32>,
      tpu.vector_store %arg11[%swap3A], %add3A {strides = array<i32>} : memref<16xf32, #tpu.memory_space<vmem>>, vector<16xf32>,
      "tpu.region"() ({
        %run_scoped3A = tpu.sem_alloc : memref<!tpu.dma_semaphore, #tpu.memory_space<semaphore_mem>>
        %dma_start3A_23 = tpu.memref_slice %arg6[%mul3A_2] : memref<128xf32, #tpu.memory_space<hbm>> -> memref<16xf32, #tpu.memory_space<hbm>>
        %dma_start3A_24 = tpu.memref_slice %arg6[%mul3A_2] : memref<128xf32, #tpu.memory_space<hbm>> -> memref<16xf32, #tpu.memory_space<hbm>>
        tpu.enqueue_dma source(%arg11 : memref<16xf32, #tpu.memory_space<vmem>>) target(%dma_start3A_24 : memref<16xf32, #tpu.memory_space<hbm>>) target_semaphore(%run_scoped3A : memref<!tpu.dma_semaphore, #tpu.memory_space<semaphore_mem>>)
        %dma_wait3A_25 = tpu.memref_slice %arg6[%mul3A_2] : memref<128xf32, #tpu.memory_space<hbm>> -> memref<16xf32, #tpu.memory_space<hbm>>
        %dma_wait3A_26 = tpu.memref_slice %arg6[%mul3A_2] : memref<128xf32, #tpu.memory_space<hbm>> -> memref<16xf32, #tpu.memory_space<hbm>>
        tpu.wait_dma2 semaphore(%run_scoped3A : memref<!tpu.dma_semaphore, #tpu.memory_space<semaphore_mem>>) src(%arg11 : memref<16xf32, #tpu.memory_space<vmem>>) dst(%dma_wait3A_26 : memref<16xf32, #tpu.memory_space<hbm>>)
        tpu.yield
      }) : () -> ()
    } else {
    }
    return
  }
}

</mosaic_0001>

<sc_bundles>
// kernel: kernel.3.cloned.1.call-start
scs
__scs_entry_jumppad:
0x0: {  	(pc) =	sbr.rel $0x88, $3  }
0x1: {  	(tag) =	ssettag $0x0;
	lr =	simm.s32 $0x1  }
0x2: {  	[smem:$0x3F9D] =	sst lr;
	_ =	strace $0xD0000000  }
0x3: {  	_ = 	snop  }
0x4: {  	_ = 	snop  }
0x5: {  	_ = 	snop  }
0x6: {  	_ = 	snop  }
0x7: {  	_ = 	snop  }
__scs_overlays_trampoline_lowered:
0x8: {  	[smem:$0x3FAC] =	sst s0  }
0x9: {  	[smem:$0x3FAD] =	sst s1  }
0xa: {  	[smem:$0x3FAE] =	sst s2  }
0xb: {  	[smem:$0x3FAF] =	sst s3  }
0xc: {  	[smem:$0x3FB0] =	sst s4  }
0xd: {  	[smem:$0x3FB1] =	sst s5  }
0xe: {  	[smem:$0x3FB2] =	sst s6  }
0xf: {  	[smem:$0x3FB3] =	sst s7  }
0x10: {  	[smem:$0x3FB4] =	sst s8  }
0x11: {  	[smem:$0x3FB5] =	sst s9;
	s0 =	simm.s32 @!p0 $0x0  }
0x12: {  	s1 =	sld [smem:$0x3F9B];
	s0 =	simm.s32 @p0 $0x1  }
0x13: {  	[smem:$0x3FB6] =	sst s0;
	s0 =	simm.s32 @!p1 $0x0  }
0x14: {  	s2 =	sld [smem:$0x3F9A];
	s0 =	simm.s32 @p1 $0x1  }
0x15: {  	[smem:$0x3FB7] =	sst s0;
	s0 =	simm.s32 @!p2 $0x0  }
0x16: {  	s3 =	sld [smem:$0x3FDB];
	s0 =	simm.s32 @p2 $0x1  }
0x17: {  	s4 =	simm.s32 $0x1BF5;
	[smem:$0x3FB9] =	sst s0  }
0x18: {  	s0 =	sld [smem:$0x3F9C];
	_ =	swait.ge [sflag:s4], $0x0  }
0x19: {  	s7 =	sld [smem:$0x3F9D]  }
0x1a: {  	s8 =	sadd.s32 $0xFFFFE003, lr  }
0x1b: {  	s9 =	sadd.s32 $0xFFFFFEF7, lr;
	s5 =	simm.s32 $0xFFFFFFFF;
	p2 =	slt.u32 s8, $0xFFFFF086  }
0x1c: {  	p1 =	slt.u32 s9, $0xF7A;
	s5 =	simm.s32 @!p2 $0x0  }
0x1d: {  	s5 =	simm.s32 @p1 $0x1;
	p0 =	seq.s32 s7, s2  }
0x1e: {  	s7 =	smul.u32 @!p0 $0xF7A, s2;
	p2 =	seq.s32 @!p0 s5, $0x0  }
0x1f: {  	s9 =	smul.u32 $0xF7A, s1;
	s8 =	simm.s32 @!p0 $0x1BF5;
	p2 =	por !p2, p0  }
0x20: {  	[sflag:s8] =	ssyncset.s32 @!p0 $0xFFFFF086;
	s6 =	sadd.s32 @!p0 s3, s7;
	s7 =	simm.s32 @!p0 $0x108  }
0x21: {  	s3 =	sadd.s32 s3, s9;
	s6 =	sadd.s32 @!p0 $0x88, s6;
	s7 =	simm.s32 @p2 $0x1082  }
0x22: {  	[simem:s7], [sflag:s8] =	dma.local @!p0 [hbm:s6], $0xF7A  }
0x23: {  	s9 =	sor.u32 $0xD0000000, s2;
	s6 =	simm.s32 $0x108;
	_ =	swait.ge @!p0 [sflag:s8], $0x0  }
0x24: {  	s3 =	sadd.s32 $0x88, s3;
	s6 =	simm.s32 @!p1 $0x1082;
	[sflag:s4] =	ssyncset.s32 $0xFFFFF086  }
0x25: {  	[simem:s6], [sflag:s4] =	dma.local [hbm:s3], $0xF7A  }
0x26: {  	[smem:$0x3F9D] =	sst s1;
	(tag) =	ssettag s2;
	_ =	strace s9  }
0x27: {  	s1 =	sld [smem:$0x3FAD]  }
0x28: {  	s2 =	sld [smem:$0x3FAE]  }
0x29: {  	s4 =	sld [smem:$0x3FB0]  }
0x2a: {  	p0 =	seq.s32 s5, $0x0;
	s5 =	sld [smem:$0x3FB1]  }
0x2b: {  	s6 =	sld [smem:$0x3FB2]  }
0x2c: {  	s7 =	sld [smem:$0x3FB3]  }
0x2d: {  	s3 =	simm.s32 $0x108;
	s8 =	sld [smem:$0x3FB4]  }
0x2e: {  	s3 =	simm.s32 @!p0 $0x1082;
	s9 =	sld [smem:$0x3FB5]  }
0x2f: {  	lr =	sadd.s32 s0, s3;
	s0 =	sld [smem:$0x3FAC]  }
0x30: {  	s3 =	sld [smem:$0x3FAF]  }
0x31: {  	[smem:$0x3FB8] =	sst s10  }
0x32: {  	s10 =	sld [smem:$0x3FB6];
	_ =	sdelay $0x3  }
0x33: {  	p0 =	seq.s32 s10, $0x1;
	s10 =	sld [smem:$0x3FB8];
	_ =	sdelay $0x3  }
0x34: {  	[smem:$0x3FB8] =	sst s10  }
0x35: {  	s10 =	sld [smem:$0x3FB7];
	_ =	sdelay $0x3  }
0x36: {  	p1 =	seq.s32 s10, $0x1;
	s10 =	sld [smem:$0x3FB8];
	_ =	sdelay $0x3  }
0x37: {  	[smem:$0x3FB8] =	sst s10  }
0x38: {  	s10 =	sld [smem:$0x3FB9]  }
0x39: {  	_ = 	snop;
	(pc) =	sbr.ind lr, $3  }
0x3a: {  	_ = 	snop  }
0x3b: {  	_ = 	snop  }
0x3c: {  	p2 =	seq.s32 s10, $0x1;
	s10 =	sld [smem:$0x3FB8]  }
0x3d: {  	_ =	shalt  }
0x3e: {  	_ =	shalt  }
0x3f: {  	_ =	shalt  }
0x40: {  	_ =	shalt  }
0x41: {  	_ =	shalt  }
0x42: {  	_ =	shalt  }
0x43: {  	_ =	shalt  }
0x44: {  	_ =	shalt  }
0x45: {  	_ =	shalt  }
0x46: {  	_ =	shalt  }
0x47: {  	_ =	shalt  }
0x48: {  	_ =	shalt  }
0x49: {  	_ =	shalt  }
0x4a: {  	_ =	shalt  }
0x4b: {  	_ =	shalt  }
0x4c: {  	_ =	shalt  }
0x4d: {  	_ =	shalt  }
0x4e: {  	_ =	shalt  }
0x4f: {  	_ =	shalt  }
0x50: {  	_ =	shalt  }
0x51: {  	_ =	shalt  }
0x52: {  	_ =	shalt  }
0x53: {  	_ =	shalt  }
0x54: {  	_ =	shalt  }
0x55: {  	_ =	shalt  }
0x56: {  	_ =	shalt  }
0x57: {  	_ =	shalt  }
0x58: {  	_ =	shalt  }
0x59: {  	_ =	shalt  }
0x5a: {  	_ =	shalt  }
0x5b: {  	_ =	shalt  }
0x5c: {  	_ =	shalt  }
0x5d: {  	_ =	shalt  }
0x5e: {  	_ =	shalt  }
0x5f: {  	_ =	shalt  }
0x60: {  	_ =	shalt  }
0x61: {  	_ =	shalt  }
0x62: {  	_ =	shalt  }
0x63: {  	_ =	shalt  }
0x64: {  	_ =	shalt  }
0x65: {  	_ =	shalt  }
0x66: {  	_ =	shalt  }
0x67: {  	_ =	shalt  }
0x68: {  	_ =	shalt  }
0x69: {  	_ =	shalt  }
0x6a: {  	_ =	shalt  }
0x6b: {  	_ =	shalt  }
0x6c: {  	_ =	shalt  }
0x6d: {  	_ =	shalt  }
0x6e: {  	_ =	shalt  }
0x6f: {  	_ =	shalt  }
0x70: {  	_ =	shalt  }
0x71: {  	_ =	shalt  }
0x72: {  	_ =	shalt  }
0x73: {  	_ =	shalt  }
0x74: {  	_ =	shalt  }
0x75: {  	_ =	shalt  }
0x76: {  	_ =	shalt  }
0x77: {  	_ =	shalt  }
0x78: {  	_ =	shalt  }
0x79: {  	_ =	shalt  }
0x7a: {  	_ =	shalt  }
0x7b: {  	_ =	shalt  }
0x7c: {  	_ =	shalt  }
0x7d: {  	_ =	shalt  }
0x7e: {  	_ =	shalt  }
0x7f: {  	_ =	shalt  }
0x80: {  	_ =	shalt  }
0x81: {  	_ =	shalt  }
0x82: {  	_ =	shalt  }
0x83: {  	_ =	shalt  }
0x84: {  	_ =	shalt  }
0x85: {  	_ =	shalt  }
0x86: {  	_ =	shalt  }
0x87: {  	_ =	shalt  }
.Lfunc_end0:
.L_simem_size_0:
called_computation_lowered:
.L_overlay_start_0:
0x88: {  	s0 =	sld [smem:$0x3FD9]  }
0x89: {  	s1 =	sld [smem:$0x3FFE];
	_ =	sdelay $0x3  }
0x8a: {  	s0 =	sadd.s32 s1, s0  }
0x8b: {  	[smem:$0x3FC4] =	sst s0  }
0x8c: {  	_ = 	snop  }
0x8d: {  	s0 =	sld [smem:$0x3FC9]  }
0x8e: {  	s17 =	sld [smem:$0x3FC8]  }
0x8f: {  	s2 =	sld [smem:$0x3FC7]  }
0x90: {  	s3 =	sld [smem:$0x3FC6]  }
0x91: {  	s4 =	sld [smem:$0x3FD0];
	(tm) =	ssettm $0x1  }
0x92: {  	s5 =	sld [smem:$0x3FFB];
	_ =	sdelay $0x3  }
0x93: {  	_ =	strace s5  }
0x94: {  	s5 =	sld [smem:$0x3FFC];
	_ =	sdelay $0x3  }
0x95: {  	_ =	strace s5  }
0x96: {  	s5 =	sld [smem:$0x3FFD];
	_ =	sdelay $0x3  }
0x97: {  	_ =	strace s5  }
0x98: {  	_ =	strace $0x8FFFFFFF  }
0x99: {  	s18 =	sld [smem:$0x3FDB];
	_ =	sdelay $0x1  }
0x9a: {  	s6 =	simm.s32 $_scs_section_size  }
0x9b: {  	s7 =	simm.s32 $_size__tile_overlayer_lowered;
	s8 =	simm.s32 $_tile_overlayer_lowered  }
0x9c: {  	s21 =	simm.s32 $0x1BFF;
	s20 =	sshll.u32 s8, $0x1;
	s5 =	sadd.s32 s6, s18  }
0x9d: {  	s9 =	simm.s32 $0x0;
	s19 =	sshll.u32 s7, $0x1;
	s7 =	sadd.s32 s20, s5  }
0x9e: {  	[timem:s9], [sflag:s21] =	dma.local [hbm:s7], s19  }
0x9f: {  	_ =	swait.ge [sflag:s21], s19  }
0xa0: {  	s6 =	ssub.s32 $0x0, s19;
	[sflag:s21] =	ssyncset.done $0x0  }
0xa1: {  	[sflag:s21] =	ssyncadd.s32 s6;
	_ =	sdelay $0x1  }
0xa2: {  	s22 =	simm.s32 $0x1B8B  }
0xa3: {  	_ =	swait.ge [sflag:s22], $0x1  }
0xa4: {  	[sflag:s22] =	ssyncset.done $0x0  }
0xa5: {  	s23 =	simm.s32 $0x1B8E;
	[sflag:s22] =	ssyncadd.s32 $0xFFFFFFFF  }
0xa6: {  	s24 =	simm.s32 $execute0_lowered;
	[smem:$0x3FD2] =	sst s23  }
0xa7: {  	s6 =	sshll.u32 s24, $0x1;
	_ =	strace $0x80000046;
	[dreg:$0x1] =	wrdreg $0xFFFFFFFF  }
0xa8: {  	s25 =	simm.s32 $_size_execute0_lowered;
	s5 =	sadd.s32 s5, s6;
	[dreg:$0x0] =	wrdreg $0x0  }
0xa9: {  	s6 =	sshll.u32 s25, $0x1;
	[dreg:$0x2] =	wrdreg s5  }
0xaa: {  	[dreg:$0x3] =	wrdreg s6  }
0xab: {  	[dreg:$0x4] =	wrdreg $0xC0  }
0xac: {  	_ =	task [dreg:s9], $0x5FFFF  }
0xad: {  	[dreg:$0x1] =	wrdreg $0xFFFFFFFF  }
0xae: {  	[dreg:$0x0] =	wrdreg $0x60  }
0xaf: {  	[dreg:$0x2] =	wrdreg s0  }
0xb0: {  	[dreg:$0x3] =	wrdreg s17  }
0xb1: {  	[dreg:$0x4] =	wrdreg s2  }
0xb2: {  	[dreg:$0x5] =	wrdreg s3  }
0xb3: {  	[dreg:$0x6] =	wrdreg s4  }
0xb4: {  	[dreg:$0x7] =	wrdreg $0x9  }
0xb5: {  	_ =	task.clear_ibuf [dreg:s9], $0x8FFFF;
	_ =	strace $0x90000046  }
0xb6: {  	s26 =	simm.s32 $0x9;
	_ =	strace $0x80000048  }
0xb7: {  	_ =	swait.ge [sflag:s26], $0x1  }
0xb8: {  	[sflag:s26] =	ssyncadd.s32 $0xFFFFFFFF  }
0xb9: {  	_ =	strace $0x90000048  }
0xba: {  	_ =	sfence  }
0xbb: {  	s28 =	sld [smem:$0x0];
	_ =	sdelay $0x1  }
0xbc: {  	s29 =	srdreg.scid  }
0xbd: {  	s30 =	sshll.u32 s29, $0xD;
	s31 =	sshrl.u32 s29, $0x2  }
0xbe: {  	s1 =	sand.u32 $0x1, s29;
	s2 =	sand.u32 $0x4000, s30;
	s0 =	sadd.s32 s31, s28  }
0xbf: {  	s1 =	sor.u32 s2, s1;
	s0 =	sshll.u32 s0, $0x11  }
0xc0: {  	s0 =	sor.u32 s0, s1  }
0xc1: {  	s0 =	sadd.s32 $0x8F2B, s0  }
0xc2: {  	[sflag:s0] =	ssyncadd.remote.s32 $0x1  }
0xc3: {  	_ =	sfence.sel $0xFFFF  }
0xc4: {  	[dreg:$0x0] =	wrdreg $0xFFFFFFFF;
	(pc) =	sbr.abs _section_cstart, $3  }
0xc5: {  	[dreg:$0x1] =	wrdreg $0xFFFFFFFF  }
0xc6: {  	_ =	task.clear_ibuf [dreg:s9], $0x2FFFF;
	_ =	strace $0x9FFFFFFF  }
0xc7: {  	(tm) =	ssettm $0x7FFFFFFF  }
tec
execute0_lowered:
.L_overlay_start_1:
0x0: {  	(tag) =	ssettag $0x1  }
0x1: {  	s0 =	rddreg [dreg:$0x0]  }
0x2: {  	s1 =	rddreg [dreg:$0x1]  }
0x3: {  	s2 =	rddreg [dreg:$0x2]  }
0x4: {  	s3 =	rddreg [dreg:$0x3]  }
0x5: {  	s4 =	rddreg [dreg:$0x4];
	s5 =	stileid.u32  }
0x6: {  	s6 =	rddreg [dreg:$0x5];
	s7 =	simm.s32 $0x0;
	p0 =	sgt.u32 s5, $0x7  }
0x7: {  	[smem:$0x7FF] =	sst s7;
	s7 =	sshll.u32 @!p0 s5, $0x1  }
0x8: {  	_ =	strace $0x80000047;
	s8 =	simm.s32 @!p0 $0x0;
	s0 =	sadd.s32 @!p0 s0, s7  }
0x9: {  	[tilespmem:s8], [sflag:$0x1] =	stream.linear.gather @!p0 [hbm4b:s0+s8], $0x10, $0x38;
	[tilespmem:$0x980] =	vst v63  }
0xa: {  	s0 =	simm.s32 @!p0 $0x880  }
0xb: {  	[tilespmem:s0], [sflag:$0x1] =	stream.linear.gather @!p0 [hbm4b:s1+s8], $0x1, $0x38;
	[tilespmem:$0x980] =	vst v63  }
0xc: {  	s0 =	simm.s32 @!p0 $0x80  }
0xd: {  	[tilespmem:s0], [sflag:$0x1] =	stream.linear.gather @!p0 [hbm4b:s2+s8], $0x400, $0x38;
	[tilespmem:$0x980] =	vst v63  }
0xe: {  	s1 =	simm.s32 @!p0 $0x480;
	s2 =	simm.s32 @!p0 $0x1  }
0xf: {  	[tilespmem:s1], [sflag:$0x1] =	stream.linear.gather @!p0 [hbm4b:s3+s8], $0x400, $0x38;
	[tilespmem:$0x980] =	vst v63  }
0x10: {  	_ =	swait.ge @!p0 [sflag:s2], $0x10  }
0x11: {  	[sflag:s2] =	ssyncset.done @!p0 $0x0  }
0x12: {  	[sflag:s2] =	ssyncadd.s32 @!p0 $0xFFFFFFF0  }
0x13: {  	_ =	swait.ge @!p0 [sflag:s2], $0x1  }
0x14: {  	[sflag:s2] =	ssyncset.done @!p0 $0x0  }
0x15: {  	[sflag:s2] =	ssyncadd.s32 @!p0 $0xFFFFFFFF  }
0x16: {  	_ =	swait.ge @!p0 [sflag:s2], $0x400  }
0x17: {  	[sflag:s2] =	ssyncset.done @!p0 $0x0  }
0x18: {  	[sflag:s2] =	ssyncadd.s32 @!p0 $0xFFFFFC00  }
0x19: {  	_ =	swait.ge @!p0 [sflag:s2], $0x400  }
0x1a: {  	[sflag:s2] =	ssyncset.done @!p0 $0x0  }
0x1b: {  	[sflag:s2] =	ssyncadd.s32 @!p0 $0xFFFFFC00  }
0x1c: {  	v0 =	vld @!p0 [tilespmem:$0x880];
	_ =	sdelay $0x4  }
0x1d: {  	(v2sf) =	vpush @!p0 v0, $0x0;
	_ =	sdelay $0x3  }
0x1e: {  	v1 =	vld @!p0 [tilespmem:$0x0];
	_ =	sdelay $0x7  }
0x1f: {  	v2 =	vld.idx.msk @!p0 [tilespmem:v1+s0+$0x0], $0xffff  }
0x20: {  	v1 =	vld.idx.msk @!p0 [tilespmem:v1+s1+$0x0], $0xffff;
	_ =	sdelay $0x1  }
0x21: {  	s0 =	spop @!p0 (v2sf)  }
0x22: {  	v0 =	vbroadcast @!p0 v0, $0x0;
	s0 =	ssub.f32 @!p0 $1.000000000e+00, s0;
	_ =	sdelay $0x1  }
0x23: {  	v0 =	vmul.f32 @!p0 v0, v2;
	v1 =	vmul.f32 @!p0 s0, v1;
	_ =	sdelay $0x1  }
0x24: {  	v0 =	vadd.f32 @!p0 v1, v0;
	_ =	sdelay $0x1  }
0x25: {  	s1 =	simm.s32 @!p0 $0x900;
	s0 =	sadd.s32 @!p0 s4, s7;
	[tilespmem:$0x900] =	vst @!p0 v0  }
0x26: {  	[hbm4b:s0+s8] =	stream.linear.scatter @!p0 [tilespmem:s1], [sflag:$0x2], $0x10, $0x38;
	[tilespmem:$0x980] =	vst v63  }
0x27: {  	s0 =	simm.s32 @!p0 $0x2  }
0x28: {  	_ =	swait.ge @!p0 [sflag:s0], $0x10  }
0x29: {  	[sflag:s0] =	ssyncset.done @!p0 $0x0  }
0x2a: {  	[sflag:s0] =	ssyncadd.s32 @!p0 $0xFFFFFFF0  }
0x2b: {  	_ =	sfence.sel $0x180000  }
0x2c: {  	[bflag:$0x0] =	sbarrier.arrive $0xFFFF  }
0x2d: {  	p0 =	sne.s32 s5, $0x0;
	_ =	strace $0x90000047  }
0x2e: {  	s0 =	sadd.s32 @!p0 $0x100000, s6;
	[bflag:$0x2] =	sbarrier.arrive $0xFFFF  }
0x2f: {  	[sflag:s0] =	ssyncadd.tile.s32 @!p0 $0x1;
	_ =	shalt  }
.Lfunc_end2:
_tile_overlayer_lowered:
.L_overlay_start_2:
0x30: {  	(tag) =	ssettag $0x2  }
0x31: {  	s0 =	rddreg [dreg:$0x0];
	s2 =	stileid.u32  }
0x32: {  	s1 =	rddreg [dreg:$0x1];
	p0 =	sne.s32 s2, $0x0  }
0x33: {  	s3 =	rddreg [dreg:$0x2];
	[bflag:$0x3] =	sbarrier.arrive $0xFFFF;
	s2 =	simm.s32 @!p0 $0x1C02  }
0x34: {  	[timem:s3], [sflag:s2] =	dma.local @!p0 [hbm:s0], s1  }
0x35: {  	s0 =	simm.s32 @!p0 $0x2  }
0x36: {  	_ =	swait.ge @!p0 [sflag:s0], s1  }
0x37: {  	s1 =	ssub.s32 @!p0 $0x0, s1;
	[sflag:s0] =	ssyncset.done @!p0 $0x0  }
0x38: {  	[sflag:s0] =	ssyncadd.s32 @!p0 s1  }
0x39: {  	[bflag:$0x3] =	sbarrier.arrive $0xFFFF  }
0x3a: {  	_ =	shalt  }

</sc_bundles>
